<compile_context>
chip_gen: v7x
topology: tpu7x:2x2x1
jax: 0.10.2.dev20260603
libtpu: 0.0.44.dev20260713+nightly
codegen_flags: <defaults>
</compile_context>

<pallas_src>
import functools

import jax
import jax.numpy as jnp
from jax import lax
from jax.experimental import pallas as pl
from jax.experimental.pallas import tpu as pltpu
from jax.experimental.pallas import tpu_sc as plsc

_THRESH = 0.7
_K_RANK = 100000

_B, _C, _H, _W = 4, 19, 512, 512
_NPIX = _B * _H * _W
_RB = 256
_NBLK = _B * _H // _RB
_BPB = _H // _RB

_NW = 32
_CHUNK = _NPIX // _NW


def _sc_gather_body(score_hbm, target_hbm, p_hbm, idx_v, p_v, sem):
    wid = lax.axis_index("s") * 2 + lax.axis_index("c")
    base = wid * _CHUNK
    pltpu.sync_copy(target_hbm.at[pl.ds(base, _CHUNK)], idx_v)

    def body(j, carry):
        off = pl.multiple_of(j * 16, 16)
        t = idx_v[pl.ds(off, 16)]
        i = lax.broadcasted_iota(jnp.int32, (16,), 0) + (base + j * 16)
        bb = i >> 18
        r = i & jnp.int32(262143)
        idx_v[pl.ds(off, 16)] = (bb * 19 + t) * 262144 + r
        return carry

    lax.fori_loop(0, _CHUNK // 16, body, 0)
    pltpu.async_copy(score_hbm.at[idx_v], p_v, sem).wait()
    pltpu.sync_copy(p_v, p_hbm.at[pl.ds(base, _CHUNK)])


_sc_gather = functools.partial(
    pl.kernel,
    out_type=jax.ShapeDtypeStruct((_NPIX,), jnp.float32),
    mesh=plsc.VectorSubcoreMesh(core_axis_name="c", subcore_axis_name="s"),
    scratch_types=[
        pltpu.VMEM((_CHUNK,), jnp.int32),
        pltpu.VMEM((_CHUNK,), jnp.float32),
        pltpu.SemaphoreType.DMA,
    ],
)(_sc_gather_body)


def _lse_body(score_ref, out_ref):
    s = score_ref[0]
    e = jnp.sum(jnp.exp(s), axis=0)
    out_ref[:, :] = jnp.log(e)


def _join_body(p_ref, lse_ref, out_ref):
    pb = p_ref[:, :]
    lb = lse_ref[:, :] - pb
    below = pb < _THRESH
    s1 = jnp.sum(jnp.where(below, lb, 0.0))
    c1 = jnp.sum(below.astype(jnp.float32))
    cle = jnp.sum((pb <= _THRESH).astype(jnp.float32))

    def fast(_):
        return s1 / c1

    def slow(_):
        pi = lax.bitcast_convert_type(pb, jnp.int32)
        skey = jnp.where(pi >= 0, pi, pi ^ jnp.int32(0x7FFFFFFF))
        neg = skey < 0
        cneg = jnp.sum(neg.astype(jnp.int32))
        k = jnp.int32(_K_RANK)
        isneg = k < cneg
        base = jnp.where(isneg, jnp.int32(-2147483648), jnp.int32(0))
        kk = jnp.where(isneg, k, k - cneg)
        clsmask = neg == isneg
        mag = skey & jnp.int32(0x7FFFFFFF)

        def body(j, prefix):
            cand = prefix | (jnp.int32(1) << (30 - j))
            cnt = jnp.sum((clsmask & (mag < cand)).astype(jnp.int32))
            return jnp.where(cnt <= kk, cand, prefix)

        prefix = lax.fori_loop(0, 31, body, jnp.int32(0))
        akey = base | prefix
        abits = jnp.where(akey >= 0, akey, akey ^ jnp.int32(0x7FFFFFFF))
        aval = lax.bitcast_convert_type(abits, jnp.float32)
        t = jnp.maximum(aval, _THRESH)
        keep = pb < t
        ssum = jnp.sum(jnp.where(keep, lb, 0.0))
        cnt = jnp.sum(keep.astype(jnp.float32))
        return ssum / cnt

    loss = lax.cond(cle >= float(_K_RANK + 1), fast, slow, operand=None)
    out_ref[:, :] = jnp.full((1, 1), loss, dtype=jnp.float32)


def kernel(score, target):
    target = target.astype(jnp.int32)
    p = _sc_gather(score.reshape(-1), target.reshape(-1))
    lse = pl.pallas_call(
        _lse_body,
        grid=(_NBLK,),
        in_specs=[
            pl.BlockSpec((1, _C, _RB, _W), lambda i: (i // _BPB, 0, i % _BPB, 0)),
        ],
        out_specs=pl.BlockSpec((_RB, _W), lambda i: (i, 0)),
        out_shape=jax.ShapeDtypeStruct((_B * _H, _W), jnp.float32),
    )(score)
    out = pl.pallas_call(
        _join_body,
        in_specs=[
            pl.BlockSpec((_B * _H, _W), lambda: (0, 0)),
            pl.BlockSpec((_B * _H, _W), lambda: (0, 0)),
        ],
        out_specs=pl.BlockSpec((1, 1), lambda: (0, 0)),
        out_shape=jax.ShapeDtypeStruct((1, 1), jnp.float32),
    )(p.reshape(_B * _H, _W), lse)
    return out[0, 0]

# --- scband reference (transcript-rebuilt; emitter-appended) ---
"""Pipeline reference for scband-ohem-cross-entropy-69355131896499 (READ-ONLY COPY).

The authoritative reference and input builder live on the scoring server;
editing this copy changes nothing except your own understanding.
"""

import jax, jax.numpy as jnp
import numpy as np

IGNORE_LABEL = -1 - 1  # module does ignore_label - 1
THRESH = 0.7
MIN_KEPT = 100000


def setup_inputs(seed: int = 0) -> dict:
    key = jax.random.key(seed)
    k1, k2 = jax.random.split(key)
    score = jax.random.normal(k1, (4, 19, 512, 512), dtype=jnp.float32)
    target = jax.random.randint(k2, (4, 512, 512), 0, 19, dtype=jnp.int64)
    return {"score": score, "target": target}


def reference(score, target):
    # ph == h and pw == w for these shapes, so no bilinear upsample branch.
    B, C, H, W = score.shape
    # CrossEntropyLoss(reduction='none', ignore_index=IGNORE_LABEL)
    logp = jax.nn.log_softmax(score, axis=1)
    tmp_target = jnp.where(target == IGNORE_LABEL, 0, target)
    picked_logp = jnp.take_along_axis(logp, tmp_target[:, None, :, :], axis=1)[:, 0]
    mask = (target != IGNORE_LABEL)
    pixel_losses = jnp.where(mask, -picked_logp, 0.0).reshape(-1)
    # pred = score.gather(1, tmp_target) -- raw (cloned) score, not softmax
    pred = jnp.take_along_axis(score, tmp_target[:, None, :, :], axis=1)[:, 0].reshape(-1)
    mask_flat = mask.reshape(-1)
    # masked_select(mask).sort(): push invalid entries to the end with +inf
    pred_for_sort = jnp.where(mask_flat, pred, jnp.inf)
    ind = jnp.argsort(pred_for_sort)
    pred_sorted = jnp.take(pred_for_sort, ind)
    n_valid = jnp.sum(mask_flat.astype(jnp.int32))
    idx = jnp.minimum(jnp.asarray(MIN_KEPT, dtype=jnp.int32), n_valid - 1)
    min_value = jnp.take(pred_sorted, idx)
    threshold = jnp.maximum(min_value, jnp.asarray(THRESH, dtype=score.dtype))
    losses_sorted = jnp.take(pixel_losses, ind)
    keep = jnp.take(mask_flat, ind) & (pred_sorted < threshold)
    keepf = keep.astype(score.dtype)
    loss = jnp.sum(losses_sorted * keepf) / jnp.sum(keepf)
    return loss

if __name__ == "__main__":
    import jax
    _d = setup_inputs()
    print(jax.jit(kernel)(*tuple(_d.values())))

</pallas_src>

<mosaic_0001>
#map = affine_map<(d0, d1) -> (0)>
module attributes {stable_mosaic.version = 14 : i64} {
  func.func @_sc_gather_body(%arg0: i32, %arg1: i32, %arg2: memref<19922944xf32, #tpu.memory_space<hbm>>, %arg3: memref<1048576xi32, #tpu.memory_space<hbm>>, %arg4: memref<1048576xf32, #tpu.memory_space<hbm>>, %arg5: memref<32768xi32, #tpu.memory_space<vmem>>, %arg6: memref<32768xf32, #tpu.memory_space<vmem>>, %arg7: memref<!tpu.dma_semaphore, #tpu.memory_space<semaphore_mem>>) attributes {dimension_semantics = [#tpu.dimension_semantics<core_parallel>, #tpu.dimension_semantics<subcore_parallel>], iteration_bounds = array<i64: 2, 16>, scalar_prefetch = 0 : i64, scratch_operands = 3 : i64, tpu.core_type = #tpu.core_type<sc_vector_subcore>, window_params = [{transform_indices = #map}, {transform_indices = #map}, {transform_indices = #map}]} {
    %mul3A = arith.constant 2 : i32
    %mul3A_0 = arith.muli %arg1, %mul3A : i32
    %add3A = arith.addi %mul3A_0, %arg0 : i32
    %mul3A_1 = arith.constant 32768 : i32
    %mul3A_2 = arith.muli %add3A, %mul3A_1 : i32
    "tpu.region"() ({
      %run_scoped3A = tpu.sem_alloc : memref<!tpu.dma_semaphore, #tpu.memory_space<semaphore_mem>>
      %dma_start3A_10 = tpu.memref_slice %arg3[%mul3A_2] : memref<1048576xi32, #tpu.memory_space<hbm>> -> memref<32768xi32, #tpu.memory_space<hbm>>
      %dma_start3A_11 = tpu.memref_slice %arg3[%mul3A_2] : memref<1048576xi32, #tpu.memory_space<hbm>> -> memref<32768xi32, #tpu.memory_space<hbm>>
      tpu.enqueue_dma source(%dma_start3A_11 : memref<32768xi32, #tpu.memory_space<hbm>>) target(%arg5 : memref<32768xi32, #tpu.memory_space<vmem>>) target_semaphore(%run_scoped3A : memref<!tpu.dma_semaphore, #tpu.memory_space<semaphore_mem>>)
      %dma_wait3A_12 = tpu.memref_slice %arg3[%mul3A_2] : memref<1048576xi32, #tpu.memory_space<hbm>> -> memref<32768xi32, #tpu.memory_space<hbm>>
      %dma_wait3A_13 = tpu.memref_slice %arg3[%mul3A_2] : memref<1048576xi32, #tpu.memory_space<hbm>> -> memref<32768xi32, #tpu.memory_space<hbm>>
      tpu.wait_dma2 semaphore(%run_scoped3A : memref<!tpu.dma_semaphore, #tpu.memory_space<semaphore_mem>>) src(%dma_wait3A_13 : memref<32768xi32, #tpu.memory_space<hbm>>) dst(%arg5 : memref<32768xi32, #tpu.memory_space<vmem>>)
      tpu.yield
    }) : () -> ()
    %scan3A = arith.constant 0 : i32
    %scan3A_3 = arith.constant 0 : i32
    %scan3A_4 = arith.constant 2048 : i32
    %scan3A_5 = arith.addi %scan3A_3, %scan3A_4 : i32
    %scan3A_6 = arith.constant 1 : i32
    scf.for %scan3A_10 = %scan3A_3 to %scan3A_5 step %scan3A_6  : i32 {
      %mul3A_11 = arith.constant 16 : i32
      %mul3A_12 = arith.muli %scan3A_10, %mul3A_11 : i32
      %multiple_of3A = tpu.assume_multiple %mul3A_12, 16 : i32
      %get3A = arith.index_cast %multiple_of3A : i32 to index
      %get3A_13 = tpu.vector_load %arg5[%get3A] {strides = array<i32>} : memref<32768xi32, #tpu.memory_space<vmem>>, vector<16xi32>,
      %get3A_14 = vector.shape_cast %get3A_13 : vector<16xi32> to vector<16xi32>
      %iota3A = tpu.iota {dimensions = array<i32: 0>} : vector<16xi32>
      %mul3A_15 = arith.constant 16 : i32
      %mul3A_16 = arith.muli %scan3A_10, %mul3A_15 : i32
      %add3A_17 = arith.addi %mul3A_2, %mul3A_16 : i32
      %add3A_18 = vector.broadcast %add3A_17 : i32 to vector<16xi32>
      %add3A_19 = arith.addi %iota3A, %add3A_18 : vector<16xi32>
      %shift_right_arithmetic3A = arith.constant 18 : i32
      %shift_right_arithmetic3A_20 = vector.broadcast %shift_right_arithmetic3A : i32 to vector<16xi32>
      %shift_right_arithmetic3A_21 = arith.shrsi %add3A_19, %shift_right_arithmetic3A_20 : vector<16xi32>
      %and3A = arith.constant 262143 : i32
      %and3A_22 = vector.broadcast %and3A : i32 to vector<16xi32>
      %and3A_23 = arith.andi %add3A_19, %and3A_22 : vector<16xi32>
      %mul3A_24 = arith.constant 19 : i32
      %mul3A_25 = vector.broadcast %mul3A_24 : i32 to vector<16xi32>
      %mul3A_26 = arith.muli %shift_right_arithmetic3A_21, %mul3A_25 : vector<16xi32>
      %add3A_27 = arith.addi %mul3A_26, %get3A_14 : vector<16xi32>
      %mul3A_28 = arith.constant 262144 : i32
      %mul3A_29 = vector.broadcast %mul3A_28 : i32 to vector<16xi32>
      %mul3A_30 = arith.muli %add3A_27, %mul3A_29 : vector<16xi32>
      %add3A_31 = arith.addi %mul3A_30, %and3A_23 : vector<16xi32>
      %swap3A = arith.index_cast %multiple_of3A : i32 to index
      %swap3A_32 = tpu.vector_load %arg5[%swap3A] {strides = array<i32>} : memref<32768xi32, #tpu.memory_space<vmem>>, vector<16xi32>,
      %swap3A_33 = vector.shape_cast %swap3A_32 : vector<16xi32> to vector<16xi32>
      %swap3A_34 = vector.shape_cast %add3A_31 : vector<16xi32> to vector<16xi32>
      tpu.vector_store %arg5[%swap3A], %swap3A_34 {strides = array<i32>} : memref<32768xi32, #tpu.memory_space<vmem>>, vector<16xi32>,
    }
    %scan3A_7 = arith.constant 2048 : i32
    %dma_start3A = arith.constant 0 : i32
    %dma_start3A_8 = tpu.memref_slice %arg2[%dma_start3A] : memref<19922944xf32, #tpu.memory_space<hbm>> -> memref<19922944xf32, #tpu.memory_space<hbm>>
    tpu.enqueue_indirect_dma source(%dma_start3A_8 : memref<19922944xf32, #tpu.memory_space<hbm>>) target(%arg6 : memref<32768xf32, #tpu.memory_space<vmem>>) offsets(%arg5 : memref<32768xi32, #tpu.memory_space<vmem>>) semaphore(%arg7 : memref<!tpu.dma_semaphore, #tpu.memory_space<semaphore_mem>>)
    %dma_wait3A = arith.constant 0 : i32
    %dma_wait3A_9 = tpu.memref_slice %arg2[%dma_wait3A] : memref<19922944xf32, #tpu.memory_space<hbm>> -> memref<19922944xf32, #tpu.memory_space<hbm>>
    tpu.wait_indirect_dma semaphore(%arg7 : memref<!tpu.dma_semaphore, #tpu.memory_space<semaphore_mem>>) src(%dma_wait3A_9 : memref<19922944xf32, #tpu.memory_space<hbm>>) dst(%arg6 : memref<32768xf32, #tpu.memory_space<vmem>>)
    "tpu.region"() ({
      %run_scoped3A = tpu.sem_alloc : memref<!tpu.dma_semaphore, #tpu.memory_space<semaphore_mem>>
      %dma_start3A_10 = tpu.memref_slice %arg4[%mul3A_2] : memref<1048576xf32, #tpu.memory_space<hbm>> -> memref<32768xf32, #tpu.memory_space<hbm>>
      %dma_start3A_11 = tpu.memref_slice %arg4[%mul3A_2] : memref<1048576xf32, #tpu.memory_space<hbm>> -> memref<32768xf32, #tpu.memory_space<hbm>>
      tpu.enqueue_dma source(%arg6 : memref<32768xf32, #tpu.memory_space<vmem>>) target(%dma_start3A_11 : memref<32768xf32, #tpu.memory_space<hbm>>) target_semaphore(%run_scoped3A : memref<!tpu.dma_semaphore, #tpu.memory_space<semaphore_mem>>)
      %dma_wait3A_12 = tpu.memref_slice %arg4[%mul3A_2] : memref<1048576xf32, #tpu.memory_space<hbm>> -> memref<32768xf32, #tpu.memory_space<hbm>>
      %dma_wait3A_13 = tpu.memref_slice %arg4[%mul3A_2] : memref<1048576xf32, #tpu.memory_space<hbm>> -> memref<32768xf32, #tpu.memory_space<hbm>>
      tpu.wait_dma2 semaphore(%run_scoped3A : memref<!tpu.dma_semaphore, #tpu.memory_space<semaphore_mem>>) src(%arg6 : memref<32768xf32, #tpu.memory_space<vmem>>) dst(%dma_wait3A_13 : memref<32768xf32, #tpu.memory_space<hbm>>)
      tpu.yield
    }) : () -> ()
    return
  }
}

module attributes {stable_mosaic.version = 14 : i64} {
  func.func @_lse_body(%arg0: i32, %arg1: memref<1x19x256x512xf32, #tpu.memory_space<vmem>>, %arg2: memref<256x512xf32, #tpu.memory_space<vmem>>) attributes {dimension_semantics = [#tpu.dimension_semantics<arbitrary>], iteration_bounds = array<i64: 8>, scalar_prefetch = 0 : i64, scratch_operands = 0 : i64, tpu.core_type = #tpu.core_type<tc>, window_params = [{transform_indices = @transform_0, window_bounds = array<i64: 1, 19, 256, 512>}, {transform_indices = @transform_1, window_bounds = array<i64: 256, 512>}]} {
    %get3A = arith.constant 0 : index
    %get3A_0 = arith.constant 0 : index
    %get3A_1 = arith.constant 0 : index
    %get3A_2 = arith.constant 0 : index
    %get3A_3 = vector.load %arg1[%get3A, %get3A_0, %get3A_1, %get3A_2] : memref<1x19x256x512xf32, #tpu.memory_space<vmem>>, vector<1x19x256x512xf32>
    %get3A_4 = vector.shape_cast %get3A_3 : vector<1x19x256x512xf32> to vector<19x256x512xf32>
    %exp3A = math.exp %get3A_4 : vector<19x256x512xf32>
    %reduce_sum3A = arith.constant dense<0.000000e+00> : vector<256x512xf32>
    %reduce_sum3A_5 = vector.multi_reduction <add>, %exp3A, %reduce_sum3A [0] : vector<19x256x512xf32> to vector<256x512xf32>
    %log3A = math.log %reduce_sum3A_5 : vector<256x512xf32>
    %swap3A = arith.constant 0 : index
    %swap3A_6 = arith.constant 0 : index
    %swap3A_7 = vector.load %arg2[%swap3A, %swap3A_6] : memref<256x512xf32, #tpu.memory_space<vmem>>, vector<256x512xf32>
    tpu.vector_store %arg2[%swap3A, %swap3A_6], %log3A {strides = array<i32>} : memref<256x512xf32, #tpu.memory_space<vmem>>, vector<256x512xf32>,
    return
  }
  func.func @transform_0(%arg0: i32) -> (i32, i32, i32, i32) {
    %jit3A = arith.constant 2 : i32
    %div3A = arith.divsi %arg0, %jit3A : i32
    %sign3A = arith.constant 0 : i32
    %sign3A_0 = arith.cmpi sgt, %arg0, %sign3A : i32
    %sign3A_1 = arith.extui %sign3A_0 : i1 to i32
    %sign3A_2 = arith.constant 0 : i32
    %sign3A_3 = arith.cmpi slt, %arg0, %sign3A_2 : i32
    %sign3A_4 = arith.extui %sign3A_3 : i1 to i32
    %sign3A_5 = arith.subi %sign3A_1, %sign3A_4 : i32
    %sign3A_6 = arith.constant 0 : i32
    %sign3A_7 = arith.cmpi sgt, %jit3A, %sign3A_6 : i32
    %sign3A_8 = arith.extui %sign3A_7 : i1 to i32
    %sign3A_9 = arith.constant 0 : i32
    %sign3A_10 = arith.cmpi slt, %jit3A, %sign3A_9 : i32
    %sign3A_11 = arith.extui %sign3A_10 : i1 to i32
    %sign3A_12 = arith.subi %sign3A_8, %sign3A_11 : i32
    %ne3A = arith.cmpi ne, %sign3A_5, %sign3A_12 : i32
    %rem3A = arith.remsi %arg0, %jit3A : i32
    %ne3A_13 = arith.constant 0 : i32
    %ne3A_14 = arith.cmpi ne, %rem3A, %ne3A_13 : i32
    %and3A = arith.andi %ne3A, %ne3A_14 : i1
    %sub3A = arith.constant 1 : i32
    %sub3A_15 = arith.subi %div3A, %sub3A : i32
    %select_n3A = arith.select %and3A, %sub3A_15, %div3A : i32
    %jit3A_16 = arith.constant 2 : i32
    %eq3A = arith.constant 0 : i32
    %eq3A_17 = arith.cmpi eq, %jit3A_16, %eq3A : i32
    %jit3A_18 = arith.constant 1 : i32
    %select_n3A_19 = arith.select %eq3A_17, %jit3A_18, %jit3A_16 : i32
    %rem3A_20 = arith.remsi %arg0, %select_n3A_19 : i32
    %ne3A_21 = arith.constant 0 : i32
    %ne3A_22 = arith.cmpi ne, %rem3A_20, %ne3A_21 : i32
    %lt3A = arith.constant 0 : i32
    %lt3A_23 = arith.cmpi slt, %rem3A_20, %lt3A : i32
    %lt3A_24 = arith.constant 0 : i32
    %lt3A_25 = arith.cmpi slt, %select_n3A_19, %lt3A_24 : i32
    %ne3A_26 = arith.xori %lt3A_23, %lt3A_25 : i1
    %and3A_27 = arith.andi %ne3A_26, %ne3A_22 : i1
    %add3A = arith.addi %rem3A_20, %select_n3A_19 : i32
    %select_n3A_28 = arith.select %and3A_27, %add3A, %rem3A_20 : i32
    %c0_i32 = arith.constant 0 : i32
    %c0_i32_29 = arith.constant 0 : i32
    %c0_i32_30 = arith.constant 0 : i32
    return %select_n3A, %c0_i32, %select_n3A_28, %c0_i32_29 : i32, i32, i32, i32
  }
  func.func @transform_1(%arg0: i32) -> (i32, i32) {
    %c0_i32 = arith.constant 0 : i32
    %c0_i32_0 = arith.constant 0 : i32
    return %arg0, %c0_i32 : i32, i32
  }
}

module attributes {stable_mosaic.version = 14 : i64} {
  func.func @_join_body(%arg0: memref<2048x512xf32, #tpu.memory_space<vmem>>, %arg1: memref<2048x512xf32, #tpu.memory_space<vmem>>, %arg2: memref<1x1xf32, #tpu.memory_space<vmem>>) attributes {dimension_semantics = [], scalar_prefetch = 0 : i64, scratch_operands = 0 : i64, tpu.core_type = #tpu.core_type<tc>} {
    %get3A = arith.constant 0 : index
    %get3A_0 = arith.constant 0 : index
    %get3A_1 = vector.load %arg0[%get3A, %get3A_0] : memref<2048x512xf32, #tpu.memory_space<vmem>>, vector<2048x512xf32>
    %get3A_2 = arith.constant 0 : index
    %get3A_3 = arith.constant 0 : index
    %get3A_4 = vector.load %arg1[%get3A_2, %get3A_3] : memref<2048x512xf32, #tpu.memory_space<vmem>>, vector<2048x512xf32>
    %sub3A = arith.subf %get3A_4, %get3A_1 : vector<2048x512xf32>
    %lt3A = arith.constant 0.699999988 : f32
    %lt3A_5 = vector.broadcast %lt3A : f32 to vector<2048x512xf32>
    %lt3A_6 = arith.cmpf olt, %get3A_1, %lt3A_5 : vector<2048x512xf32>
    %jit3A = arith.constant 0.000000e+00 : f32
    %broadcast_in_dim3A = vector.broadcast %jit3A : f32 to vector<2048x512xf32>
    %select_n3A = arith.select %lt3A_6, %sub3A, %broadcast_in_dim3A : vector<2048x512xi1>, vector<2048x512xf32>
    %reduce_sum3A = vector.shape_cast %select_n3A : vector<2048x512xf32> to vector<1x2048x512xf32>
    %reduce_sum3A_7 = arith.constant dense<0.000000e+00> : vector<1xf32>
    %reduce_sum3A_8 = vector.multi_reduction <add>, %reduce_sum3A, %reduce_sum3A_7 [1, 2] : vector<1x2048x512xf32> to vector<1xf32>
    %reduce_sum3A_9 = vector.shape_cast %reduce_sum3A_8 : vector<1xf32> to vector<1x1x1xf32>
    %reduce_sum3A_10 = vector.extract %reduce_sum3A_9[0, 0, 0] : f32 from vector<1x1x1xf32>
    %convert_element_type3A = arith.extui %lt3A_6 : vector<2048x512xi1> to vector<2048x512xi32>
    %convert_element_type3A_11 = arith.sitofp %convert_element_type3A : vector<2048x512xi32> to vector<2048x512xf32>
    %reduce_sum3A_12 = vector.shape_cast %convert_element_type3A_11 : vector<2048x512xf32> to vector<1x2048x512xf32>
    %reduce_sum3A_13 = arith.constant dense<0.000000e+00> : vector<1xf32>
    %reduce_sum3A_14 = vector.multi_reduction <add>, %reduce_sum3A_12, %reduce_sum3A_13 [1, 2] : vector<1x2048x512xf32> to vector<1xf32>
    %reduce_sum3A_15 = vector.shape_cast %reduce_sum3A_14 : vector<1xf32> to vector<1x1x1xf32>
    %reduce_sum3A_16 = vector.extract %reduce_sum3A_15[0, 0, 0] : f32 from vector<1x1x1xf32>
    %le3A = arith.constant 0.699999988 : f32
    %le3A_17 = vector.broadcast %le3A : f32 to vector<2048x512xf32>
    %le3A_18 = arith.cmpf ole, %get3A_1, %le3A_17 : vector<2048x512xf32>
    %convert_element_type3A_19 = arith.extui %le3A_18 : vector<2048x512xi1> to vector<2048x512xi32>
    %convert_element_type3A_20 = arith.sitofp %convert_element_type3A_19 : vector<2048x512xi32> to vector<2048x512xf32>
    %reduce_sum3A_21 = vector.shape_cast %convert_element_type3A_20 : vector<2048x512xf32> to vector<1x2048x512xf32>
    %reduce_sum3A_22 = arith.constant dense<0.000000e+00> : vector<1xf32>
    %reduce_sum3A_23 = vector.multi_reduction <add>, %reduce_sum3A_21, %reduce_sum3A_22 [1, 2] : vector<1x2048x512xf32> to vector<1xf32>
    %reduce_sum3A_24 = vector.shape_cast %reduce_sum3A_23 : vector<1xf32> to vector<1x1x1xf32>
    %reduce_sum3A_25 = vector.extract %reduce_sum3A_24[0, 0, 0] : f32 from vector<1x1x1xf32>
    %ge3A = arith.constant 1.000010e+05 : f32
    %ge3A_26 = arith.cmpf oge, %reduce_sum3A_25, %ge3A : f32
    %convert_element_type3A_27 = arith.extui %ge3A_26 : i1 to i32
    %cond3A = arith.constant 0 : i32
    %cond3A_28 = arith.cmpi ne, %convert_element_type3A_27, %cond3A : i32
    %cond3A_29 = scf.if %cond3A_28 -> (f32) {
      %div3A = arith.divf %reduce_sum3A_10, %reduce_sum3A_16 : f32
      scf.yield %div3A : f32
    } else {
      %bitcast_convert_type3A = tpu.bitcast %get3A_1 : vector<2048x512xf32> -> vector<2048x512xi32>
      %ge3A_33 = arith.constant 0 : i32
      %ge3A_34 = vector.broadcast %ge3A_33 : i32 to vector<2048x512xi32>
      %ge3A_35 = arith.cmpi sge, %bitcast_convert_type3A, %ge3A_34 : vector<2048x512xi32>
      %xor3A = arith.constant 2147483647 : i32
      %xor3A_36 = vector.broadcast %xor3A : i32 to vector<2048x512xi32>
      %xor3A_37 = arith.xori %bitcast_convert_type3A, %xor3A_36 : vector<2048x512xi32>
      %select_n3A_38 = arith.select %ge3A_35, %bitcast_convert_type3A, %xor3A_37 : vector<2048x512xi1>, vector<2048x512xi32>
      %lt3A_39 = arith.constant 0 : i32
      %lt3A_40 = vector.broadcast %lt3A_39 : i32 to vector<2048x512xi32>
      %lt3A_41 = arith.cmpi slt, %select_n3A_38, %lt3A_40 : vector<2048x512xi32>
      %convert_element_type3A_42 = arith.extui %lt3A_41 : vector<2048x512xi1> to vector<2048x512xi32>
      %reduce_sum3A_43 = vector.shape_cast %convert_element_type3A_42 : vector<2048x512xi32> to vector<1x2048x512xi32>
      %reduce_sum3A_44 = arith.constant dense<0> : vector<1xi32>
      %reduce_sum3A_45 = vector.multi_reduction <add>, %reduce_sum3A_43, %reduce_sum3A_44 [1, 2] : vector<1x2048x512xi32> to vector<1xi32>
      %reduce_sum3A_46 = vector.shape_cast %reduce_sum3A_45 : vector<1xi32> to vector<1x1x1xi32>
      %reduce_sum3A_47 = vector.extract %reduce_sum3A_46[0, 0, 0] : i32 from vector<1x1x1xi32>
      %lt3A_48 = arith.constant 100000 : i32
      %lt3A_49 = arith.cmpi slt, %lt3A_48, %reduce_sum3A_47 : i32
      %jit3A_50 = arith.constant -2147483648 : i32
      %jit3A_51 = arith.constant 0 : i32
      %select_n3A_52 = arith.select %lt3A_49, %jit3A_50, %jit3A_51 : i32
      %sub3A_53 = arith.constant 100000 : i32
      %sub3A_54 = arith.subi %sub3A_53, %reduce_sum3A_47 : i32
      %jit3A_55 = arith.constant 100000 : i32
      %select_n3A_56 = arith.select %lt3A_49, %jit3A_55, %sub3A_54 : i32
      %eq3A = vector.broadcast %lt3A_49 : i1 to vector<2048x512xi1>
      %eq3A_57 = vector.broadcast %eq3A : vector<2048x512xi1> to vector<2048x512xi1>
      %eq3A_58 = arith.xori %lt3A_41, %eq3A_57 : vector<2048x512xi1>
      %eq3A_59 = arith.constant dense<true> : vector<2048x512xi1>
      %eq3A_60 = arith.xori %eq3A_58, %eq3A_59 : vector<2048x512xi1>
      %and3A = arith.constant 2147483647 : i32
      %and3A_61 = vector.broadcast %and3A : i32 to vector<2048x512xi32>
      %and3A_62 = arith.andi %select_n3A_38, %and3A_61 : vector<2048x512xi32>
      %scan3A = arith.constant 0 : i32
      %scan3A_63 = arith.constant 0 : i32
      %scan3A_64 = arith.constant 31 : i32
      %scan3A_65 = arith.addi %scan3A_63, %scan3A_64 : i32
      %scan3A_66 = arith.constant 1 : i32
      %scan3A_67 = scf.for %scan3A_93 = %scan3A_63 to %scan3A_65 step %scan3A_66 iter_args(%scan3A_94 = %scan3A) -> (i32)  : i32 {
        %sub3A_95 = arith.constant 30 : i32
        %sub3A_96 = arith.subi %sub3A_95, %scan3A_93 : i32
        %shift_left3A = arith.constant 1 : i32
        %shift_left3A_97 = arith.shli %shift_left3A, %sub3A_96 : i32
        %or3A_98 = arith.ori %scan3A_94, %shift_left3A_97 : i32
        %lt3A_99 = vector.broadcast %or3A_98 : i32 to vector<2048x512xi32>
        %lt3A_100 = arith.cmpi slt, %and3A_62, %lt3A_99 : vector<2048x512xi32>
        %and3A_101 = arith.andi %eq3A_60, %lt3A_100 : vector<2048x512xi1>
        %convert_element_type3A_102 = arith.extui %and3A_101 : vector<2048x512xi1> to vector<2048x512xi32>
        %reduce_sum3A_103 = vector.shape_cast %convert_element_type3A_102 : vector<2048x512xi32> to vector<1x2048x512xi32>
        %reduce_sum3A_104 = arith.constant dense<0> : vector<1xi32>
        %reduce_sum3A_105 = vector.multi_reduction <add>, %reduce_sum3A_103, %reduce_sum3A_104 [1, 2] : vector<1x2048x512xi32> to vector<1xi32>
        %reduce_sum3A_106 = vector.shape_cast %reduce_sum3A_105 : vector<1xi32> to vector<1x1x1xi32>
        %reduce_sum3A_107 = vector.extract %reduce_sum3A_106[0, 0, 0] : i32 from vector<1x1x1xi32>
        %le3A_108 = arith.cmpi sle, %reduce_sum3A_107, %select_n3A_56 : i32
        %select_n3A_109 = arith.select %le3A_108, %or3A_98, %scan3A_94 : i32
        scf.yield %select_n3A_109 : i32
      }
      %scan3A_68 = arith.constant 31 : i32
      %or3A = arith.ori %select_n3A_52, %scan3A_67 : i32
      %ge3A_69 = arith.constant 0 : i32
      %ge3A_70 = arith.cmpi sge, %or3A, %ge3A_69 : i32
      %xor3A_71 = arith.constant 2147483647 : i32
      %xor3A_72 = arith.xori %or3A, %xor3A_71 : i32
      %select_n3A_73 = arith.select %ge3A_70, %or3A, %xor3A_72 : i32
      %bitcast_convert_type3A_74 = arith.bitcast %select_n3A_73 : i32 to f32
      %max3A = arith.constant 0.699999988 : f32
      %max3A_75 = arith.maximumf %bitcast_convert_type3A_74, %max3A : f32
      %lt3A_76 = vector.broadcast %max3A_75 : f32 to vector<2048x512xf32>
      %lt3A_77 = arith.cmpf olt, %get3A_1, %lt3A_76 : vector<2048x512xf32>
      %jit3A_78 = arith.constant 0.000000e+00 : f32
      %broadcast_in_dim3A_79 = vector.broadcast %jit3A_78 : f32 to vector<2048x512xf32>
      %select_n3A_80 = arith.select %lt3A_77, %sub3A, %broadcast_in_dim3A_79 : vector<2048x512xi1>, vector<2048x512xf32>
      %reduce_sum3A_81 = vector.shape_cast %select_n3A_80 : vector<2048x512xf32> to vector<1x2048x512xf32>
      %reduce_sum3A_82 = arith.constant dense<0.000000e+00> : vector<1xf32>
      %reduce_sum3A_83 = vector.multi_reduction <add>, %reduce_sum3A_81, %reduce_sum3A_82 [1, 2] : vector<1x2048x512xf32> to vector<1xf32>
      %reduce_sum3A_84 = vector.shape_cast %reduce_sum3A_83 : vector<1xf32> to vector<1x1x1xf32>
      %reduce_sum3A_85 = vector.extract %reduce_sum3A_84[0, 0, 0] : f32 from vector<1x1x1xf32>
      %convert_element_type3A_86 = arith.extui %lt3A_77 : vector<2048x512xi1> to vector<2048x512xi32>
      %convert_element_type3A_87 = arith.sitofp %convert_element_type3A_86 : vector<2048x512xi32> to vector<2048x512xf32>
      %reduce_sum3A_88 = vector.shape_cast %convert_element_type3A_87 : vector<2048x512xf32> to vector<1x2048x512xf32>
      %reduce_sum3A_89 = arith.constant dense<0.000000e+00> : vector<1xf32>
      %reduce_sum3A_90 = vector.multi_reduction <add>, %reduce_sum3A_88, %reduce_sum3A_89 [1, 2] : vector<1x2048x512xf32> to vector<1xf32>
      %reduce_sum3A_91 = vector.shape_cast %reduce_sum3A_90 : vector<1xf32> to vector<1x1x1xf32>
      %reduce_sum3A_92 = vector.extract %reduce_sum3A_91[0, 0, 0] : f32 from vector<1x1x1xf32>
      %div3A = arith.divf %reduce_sum3A_85, %reduce_sum3A_92 : f32
      scf.yield %div3A : f32
    }
    %broadcast_in_dim3A_30 = vector.broadcast %cond3A_29 : f32 to vector<1x1xf32>
    %swap3A = arith.constant 0 : index
    %swap3A_31 = arith.constant 0 : index
    %swap3A_32 = vector.load %arg2[%swap3A, %swap3A_31] : memref<1x1xf32, #tpu.memory_space<vmem>>, vector<1x1xf32>
    tpu.vector_store %arg2[%swap3A, %swap3A_31], %broadcast_in_dim3A_30 {strides = array<i32>} : memref<1x1xf32, #tpu.memory_space<vmem>>, vector<1x1xf32>,
    return
  }
}

</mosaic_0001>

<sc_bundles>
// kernel: kernel.5.cloned.1.call-start
scs
__scs_entry_jumppad:
0x0: {  	(pc) =	sbr.rel $0x88, $3  }
0x1: {  	(tag) =	ssettag $0x0;
	lr =	simm.s32 $0x1  }
0x2: {  	[smem:$0x3F9F] =	sst lr;
	_ =	strace $0xD0000000  }
0x3: {  	_ = 	snop  }
0x4: {  	_ = 	snop  }
0x5: {  	_ = 	snop  }
0x6: {  	_ = 	snop  }
0x7: {  	_ = 	snop  }
__scs_overlays_trampoline_lowered:
0x8: {  	[smem:$0x3FAE] =	sst s0  }
0x9: {  	[smem:$0x3FAF] =	sst s1  }
0xa: {  	[smem:$0x3FB0] =	sst s2  }
0xb: {  	[smem:$0x3FB1] =	sst s3  }
0xc: {  	[smem:$0x3FB2] =	sst s4  }
0xd: {  	[smem:$0x3FB3] =	sst s5  }
0xe: {  	[smem:$0x3FB4] =	sst s6  }
0xf: {  	[smem:$0x3FB5] =	sst s7  }
0x10: {  	[smem:$0x3FB6] =	sst s8  }
0x11: {  	[smem:$0x3FB7] =	sst s9;
	s0 =	simm.s32 @!p0 $0x0  }
0x12: {  	s1 =	sld [smem:$0x3F9D];
	s0 =	simm.s32 @p0 $0x1  }
0x13: {  	[smem:$0x3FB8] =	sst s0;
	s0 =	simm.s32 @!p1 $0x0  }
0x14: {  	s2 =	sld [smem:$0x3F9C];
	s0 =	simm.s32 @p1 $0x1  }
0x15: {  	[smem:$0x3FB9] =	sst s0;
	s0 =	simm.s32 @!p2 $0x0  }
0x16: {  	s3 =	sld [smem:$0x3FDB];
	s0 =	simm.s32 @p2 $0x1  }
0x17: {  	s4 =	simm.s32 $0x1BF5;
	[smem:$0x3FBB] =	sst s0  }
0x18: {  	s0 =	sld [smem:$0x3F9E];
	_ =	swait.ge [sflag:s4], $0x0  }
0x19: {  	s7 =	sld [smem:$0x3F9F]  }
0x1a: {  	s8 =	sadd.s32 $0xFFFFE003, lr  }
0x1b: {  	s9 =	sadd.s32 $0xFFFFFEF7, lr;
	s5 =	simm.s32 $0xFFFFFFFF;
	p2 =	slt.u32 s8, $0xFFFFF086  }
0x1c: {  	p1 =	slt.u32 s9, $0xF7A;
	s5 =	simm.s32 @!p2 $0x0  }
0x1d: {  	s5 =	simm.s32 @p1 $0x1;
	p0 =	seq.s32 s7, s2  }
0x1e: {  	s7 =	smul.u32 @!p0 $0xF7A, s2;
	p2 =	seq.s32 @!p0 s5, $0x0  }
0x1f: {  	s9 =	smul.u32 $0xF7A, s1;
	s8 =	simm.s32 @!p0 $0x1BF5;
	p2 =	por !p2, p0  }
0x20: {  	[sflag:s8] =	ssyncset.s32 @!p0 $0xFFFFF086;
	s6 =	sadd.s32 @!p0 s3, s7;
	s7 =	simm.s32 @!p0 $0x108  }
0x21: {  	s3 =	sadd.s32 s3, s9;
	s6 =	sadd.s32 @!p0 $0x88, s6;
	s7 =	simm.s32 @p2 $0x1082  }
0x22: {  	[simem:s7], [sflag:s8] =	dma.local @!p0 [hbm:s6], $0xF7A  }
0x23: {  	s9 =	sor.u32 $0xD0000000, s2;
	s6 =	simm.s32 $0x108;
	_ =	swait.ge @!p0 [sflag:s8], $0x0  }
0x24: {  	s3 =	sadd.s32 $0x88, s3;
	s6 =	simm.s32 @!p1 $0x1082;
	[sflag:s4] =	ssyncset.s32 $0xFFFFF086  }
0x25: {  	[simem:s6], [sflag:s4] =	dma.local [hbm:s3], $0xF7A  }
0x26: {  	[smem:$0x3F9F] =	sst s1;
	(tag) =	ssettag s2;
	_ =	strace s9  }
0x27: {  	s1 =	sld [smem:$0x3FAF]  }
0x28: {  	s2 =	sld [smem:$0x3FB0]  }
0x29: {  	s4 =	sld [smem:$0x3FB2]  }
0x2a: {  	p0 =	seq.s32 s5, $0x0;
	s5 =	sld [smem:$0x3FB3]  }
0x2b: {  	s6 =	sld [smem:$0x3FB4]  }
0x2c: {  	s7 =	sld [smem:$0x3FB5]  }
0x2d: {  	s3 =	simm.s32 $0x108;
	s8 =	sld [smem:$0x3FB6]  }
0x2e: {  	s3 =	simm.s32 @!p0 $0x1082;
	s9 =	sld [smem:$0x3FB7]  }
0x2f: {  	lr =	sadd.s32 s0, s3;
	s0 =	sld [smem:$0x3FAE]  }
0x30: {  	s3 =	sld [smem:$0x3FB1]  }
0x31: {  	[smem:$0x3FBA] =	sst s10  }
0x32: {  	s10 =	sld [smem:$0x3FB8];
	_ =	sdelay $0x3  }
0x33: {  	p0 =	seq.s32 s10, $0x1;
	s10 =	sld [smem:$0x3FBA];
	_ =	sdelay $0x3  }
0x34: {  	[smem:$0x3FBA] =	sst s10  }
0x35: {  	s10 =	sld [smem:$0x3FB9];
	_ =	sdelay $0x3  }
0x36: {  	p1 =	seq.s32 s10, $0x1;
	s10 =	sld [smem:$0x3FBA];
	_ =	sdelay $0x3  }
0x37: {  	[smem:$0x3FBA] =	sst s10  }
0x38: {  	s10 =	sld [smem:$0x3FBB]  }
0x39: {  	_ = 	snop;
	(pc) =	sbr.ind lr, $3  }
0x3a: {  	_ = 	snop  }
0x3b: {  	_ = 	snop  }
0x3c: {  	p2 =	seq.s32 s10, $0x1;
	s10 =	sld [smem:$0x3FBA]  }
0x3d: {  	_ =	shalt  }
0x3e: {  	_ =	shalt  }
0x3f: {  	_ =	shalt  }
0x40: {  	_ =	shalt  }
0x41: {  	_ =	shalt  }
0x42: {  	_ =	shalt  }
0x43: {  	_ =	shalt  }
0x44: {  	_ =	shalt  }
0x45: {  	_ =	shalt  }
0x46: {  	_ =	shalt  }
0x47: {  	_ =	shalt  }
0x48: {  	_ =	shalt  }
0x49: {  	_ =	shalt  }
0x4a: {  	_ =	shalt  }
0x4b: {  	_ =	shalt  }
0x4c: {  	_ =	shalt  }
0x4d: {  	_ =	shalt  }
0x4e: {  	_ =	shalt  }
0x4f: {  	_ =	shalt  }
0x50: {  	_ =	shalt  }
0x51: {  	_ =	shalt  }
0x52: {  	_ =	shalt  }
0x53: {  	_ =	shalt  }
0x54: {  	_ =	shalt  }
0x55: {  	_ =	shalt  }
0x56: {  	_ =	shalt  }
0x57: {  	_ =	shalt  }
0x58: {  	_ =	shalt  }
0x59: {  	_ =	shalt  }
0x5a: {  	_ =	shalt  }
0x5b: {  	_ =	shalt  }
0x5c: {  	_ =	shalt  }
0x5d: {  	_ =	shalt  }
0x5e: {  	_ =	shalt  }
0x5f: {  	_ =	shalt  }
0x60: {  	_ =	shalt  }
0x61: {  	_ =	shalt  }
0x62: {  	_ =	shalt  }
0x63: {  	_ =	shalt  }
0x64: {  	_ =	shalt  }
0x65: {  	_ =	shalt  }
0x66: {  	_ =	shalt  }
0x67: {  	_ =	shalt  }
0x68: {  	_ =	shalt  }
0x69: {  	_ =	shalt  }
0x6a: {  	_ =	shalt  }
0x6b: {  	_ =	shalt  }
0x6c: {  	_ =	shalt  }
0x6d: {  	_ =	shalt  }
0x6e: {  	_ =	shalt  }
0x6f: {  	_ =	shalt  }
0x70: {  	_ =	shalt  }
0x71: {  	_ =	shalt  }
0x72: {  	_ =	shalt  }
0x73: {  	_ =	shalt  }
0x74: {  	_ =	shalt  }
0x75: {  	_ =	shalt  }
0x76: {  	_ =	shalt  }
0x77: {  	_ =	shalt  }
0x78: {  	_ =	shalt  }
0x79: {  	_ =	shalt  }
0x7a: {  	_ =	shalt  }
0x7b: {  	_ =	shalt  }
0x7c: {  	_ =	shalt  }
0x7d: {  	_ =	shalt  }
0x7e: {  	_ =	shalt  }
0x7f: {  	_ =	shalt  }
0x80: {  	_ =	shalt  }
0x81: {  	_ =	shalt  }
0x82: {  	_ =	shalt  }
0x83: {  	_ =	shalt  }
0x84: {  	_ =	shalt  }
0x85: {  	_ =	shalt  }
0x86: {  	_ =	shalt  }
0x87: {  	_ =	shalt  }
.Lfunc_end0:
.L_simem_size_0:
called_computation.1_lowered:
.L_overlay_start_0:
0x88: {  	s2 =	sld [smem:$0x3FD9]  }
0x89: {  	s3 =	sld [smem:$0x3FFE];
	_ =	sdelay $0x1  }
0x8a: {  	s1 =	srdreg.scid  }
0x8b: {  	s0 =	sand.u32 $0x1, s1  }
0x8c: {  	s16 =	sshll.u32 s0, $0xA;
	s2 =	sadd.s32 s3, s2  }
0x8d: {  	s2 =	sadd.s32 s2, s16  }
0x8e: {  	[smem:$0x3FC6] =	sst s2  }
0x8f: {  	_ = 	snop  }
0x90: {  	(tm) =	ssettm $0x1  }
0x91: {  	s17 =	sld [smem:$0x3FFB];
	_ =	sdelay $0x3  }
0x92: {  	_ =	strace s17  }
0x93: {  	s2 =	sld [smem:$0x3FFC];
	_ =	sdelay $0x3  }
0x94: {  	_ =	strace s2  }
0x95: {  	s2 =	sld [smem:$0x3FFD];
	_ =	sdelay $0x3  }
0x96: {  	_ =	strace s2  }
0x97: {  	_ =	strace $0x8FFFFFFF  }
0x98: {  	s18 =	sld [smem:$0x3FDB];
	_ =	sdelay $0x1  }
0x99: {  	s19 =	simm.s32 $_scs_section_size  }
0x9a: {  	s4 =	simm.s32 $_size__tile_overlayer_lowered;
	s5 =	simm.s32 $_tile_overlayer_lowered  }
0x9b: {  	s22 =	simm.s32 $0x1BFF;
	s21 =	sshll.u32 s5, $0x1;
	s2 =	sadd.s32 s19, s18  }
0x9c: {  	s6 =	simm.s32 $0x0;
	s20 =	sshll.u32 s4, $0x1;
	s4 =	sadd.s32 s21, s2  }
0x9d: {  	[timem:s6], [sflag:s22] =	dma.local [hbm:s4], s20  }
0x9e: {  	_ =	swait.ge [sflag:s22], s20  }
0x9f: {  	s3 =	ssub.s32 $0x0, s20;
	[sflag:s22] =	ssyncset.done $0x0  }
0xa0: {  	[sflag:s22] =	ssyncadd.s32 s3;
	_ =	sdelay $0x1  }
0xa1: {  	s23 =	simm.s32 $0x1B8B  }
0xa2: {  	_ =	swait.ge [sflag:s23], $0x1  }
0xa3: {  	[sflag:s23] =	ssyncset.done $0x0  }
0xa4: {  	s25 =	simm.s32 $0x1B8E;
	s24 =	sld [smem:$0x3FFE];
	[sflag:s23] =	ssyncadd.s32 $0xFFFFFFFF  }
0xa5: {  	s26 =	simm.s32 $execute0_lowered;
	[smem:$0x3FD2] =	sst s25  }
0xa6: {  	s4 =	sshll.u32 s26, $0x1;
	_ =	strace $0x80000049;
	[dreg:$0x1] =	wrdreg $0xFFFFFFFF  }
0xa7: {  	s28 =	simm.s32 $_size_execute0_lowered;
	s2 =	sadd.s32 s2, s4;
	[dreg:$0x0] =	wrdreg $0x0  }
0xa8: {  	s4 =	sshll.u32 s28, $0x1;
	[dreg:$0x2] =	wrdreg s2  }
0xa9: {  	[dreg:$0x3] =	wrdreg s4  }
0xaa: {  	[dreg:$0x4] =	wrdreg $0xC0  }
0xab: {  	_ =	task [dreg:s6], $0x5FFFF  }
0xac: {  	[dreg:$0x1] =	wrdreg $0xFFFFFFFF  }
0xad: {  	[dreg:$0x0] =	wrdreg $0x60  }
0xae: {  	[dreg:$0x2] =	wrdreg s24  }
0xaf: {  	[dreg:$0x3] =	wrdreg $0x9  }
0xb0: {  	_ =	task.clear_ibuf [dreg:s6], $0x4FFFF;
	_ =	strace $0x90000049  }
0xb1: {  	s29 =	simm.s32 $0x9;
	_ =	strace $0x8000004B  }
0xb2: {  	_ =	swait.ge [sflag:s29], $0x1  }
0xb3: {  	[sflag:s29] =	ssyncadd.s32 $0xFFFFFFFF  }
0xb4: {  	_ =	strace $0x9000004B  }
0xb5: {  	_ =	sfence  }
0xb6: {  	s30 =	sld [smem:$0x0];
	_ =	sdelay $0x2  }
0xb7: {  	s31 =	sshll.u32 s1, $0xD;
	s1 =	sshrl.u32 s1, $0x2  }
0xb8: {  	s3 =	sand.u32 $0x4000, s31;
	s1 =	sadd.s32 s1, s30  }
0xb9: {  	s0 =	sor.u32 s3, s0;
	s1 =	sshll.u32 s1, $0x11  }
0xba: {  	s0 =	sor.u32 s1, s0  }
0xbb: {  	s0 =	sadd.s32 $0x8F2B, s0  }
0xbc: {  	[sflag:s0] =	ssyncadd.remote.s32 $0x1  }
0xbd: {  	_ =	sfence.sel $0xFFFF  }
0xbe: {  	[dreg:$0x0] =	wrdreg $0xFFFFFFFF;
	(pc) =	sbr.abs _section_cstart, $3  }
0xbf: {  	[dreg:$0x1] =	wrdreg $0xFFFFFFFF  }
0xc0: {  	_ =	task.clear_ibuf [dreg:s6], $0x2FFFF;
	_ =	strace $0x9FFFFFFF  }
0xc1: {  	(tm) =	ssettm $0x7FFFFFFF  }
tec
execute0_lowered:
.L_overlay_start_1:
0x0: {  	(tag) =	ssettag $0x1  }
0x1: {  	s1 =	srdreg.scid  }
0x2: {  	s0 =	stileid.u32;
	s5 =	rddreg [dreg:$0x0]  }
0x3: {  	s2 =	simm.s32 $0x0;
	s9 =	simm.s32 $0x8000;
	s10 =	simm.s32 $0x1  }
0x4: {  	s11 =	simm.s32 $0x0;
	s4 =	sand.u32 $0x1, s1;
	s1 =	rddreg [dreg:$0x1]  }
0x5: {  	s3 =	sshll.u32 s0, $0x10;
	[smem:$0x7FF] =	sst s2;
	s6 =	sshll.u32 s4, $0xF  }
0x6: {  	s7 =	ssub.s32 $0x2, s4;
	_ =	strace $0x8000004A;
	s3 =	sor.u32 s6, s3  }
0x7: {  	s4 =	sadd.s32 $0xA00, s5;
	s8 =	sshrl.u32 s7, $0x1;
	s6 =	sshrl.u32 s3, $0x3  }
0x8: {  	s7 =	ssub.s32 s7, s8;
	s8 =	simm.s32 $0x2;
	s6 =	sadd.s32 s6, s5  }
0x9: {  	v0 =	vlaneseq.u32;
	s7 =	smax.u32 s7, $0x1;
	s5 =	sadd.s32 $0x260A00, s6;
	s6 =	sadd.s32 $0x280A00, s6  }
.LBB2_1:
0xa: {  	[tilespmem:s2], [sflag:$0x2] =	stream.linear.gather [hbm4b:s5+s2], $0x8000, $0x38;
	[tilespmem:$0x10000] =	vst v63  }
0xb: {  	_ =	swait.ge [sflag:s8], $0x8000  }
0xc: {  	[sflag:s8] =	ssyncset.done $0x0  }
0xd: {  	s13 =	simm.s32 $0x0;
	[sflag:s8] =	ssyncadd.s32 $0xFFFF8000  }
0xe: {  	v1 =	vld [tilespmem:s13+$0x0]  }
0xf: {  	v2 =	vmov s3  }
0x10: {  	v2 =	vshrl.u32 v2, $0x12  }
0x11: {  	v2 =	vmul.u32 $0x13, v2;
	_ =	sdelay $0x1  }
0x12: {  	v3 =	vor.u32 s3, v0;
	v1 =	vadd.s32 v2, v1  }
0x13: {  	v2 =	vand.u32 $0x3FFFF, v3;
	v1 =	vshll.u32 v1, $0x12  }
0x14: {  	v1 =	vor.u32 v2, v1  }
0x15: {  	s12 =	simm.s32 $0x10;
	s14 =	simm.s32 $0x80;
	[tilespmem:s13+$0x0] =	vst v1;
	s13 =	smov.u32 s3  }
.LBB2_2:
0x16: {  	p0 =	sne.s32 s14, $0x1FFC0;
	v1 =	vld [tilespmem:s12+$0x0];
	s13 =	sadd.s32 $0x10, s13  }
0x17: {  	v2 =	vmov s13  }
0x18: {  	v2 =	vshrl.u32 v2, $0x12  }
0x19: {  	v2 =	vmul.u32 $0x13, v2  }
.Ltmp0:
0x1a: {  	(pc) =	sbr.rel @p0 .LBB2_2-.Ltmp0, $4  }
0x1b: {  	v3 =	vor.u32 s13, v0;
	v1 =	vadd.s32 v2, v1  }
0x1c: {  	v2 =	vand.u32 $0x3FFFF, v3;
	v1 =	vshll.u32 v1, $0x12  }
0x1d: {  	v1 =	vor.u32 v2, v1  }
0x1e: {  	[tilespmem:s12+$0x0] =	vst v1;
	s12 =	sshra.s32 s14, $0x2;
	s14 =	sadd.s32 $0x40, s14  }
0x1f: {  	v1 =	vld [tilespmem:s12+$0x0];
	s13 =	sadd.s32 $0x10, s13  }
0x20: {  	v2 =	vmov s13  }
0x21: {  	v2 =	vshrl.u32 v2, $0x12  }
0x22: {  	v2 =	vmul.u32 $0x13, v2;
	_ =	sdelay $0x1  }
0x23: {  	v3 =	vor.u32 s13, v0;
	v1 =	vadd.s32 v2, v1  }
0x24: {  	v2 =	vand.u32 $0x3FFFF, v3;
	v1 =	vshll.u32 v1, $0x12  }
0x25: {  	v1 =	vor.u32 v2, v1  }
0x26: {  	[tilespmem:s12+$0x0] =	vst v1  }
0x27: {  	[tilespmem:s9], [sflag:$0x1] =	stream.indirect.gather [hbm4b:s4+s9], $0x1, s2, s9, $0xb8;
	[tilespmem:$0x10000] =	vst v63  }
0x28: {  	s11 =	sadd.s32 $0x1, s11;
	_ =	swait.ge [sflag:s10], $0x8000  }
0x29: {  	p0 =	sne.s32 s11, s7;
	[sflag:s10] =	ssyncset.done $0x0  }
.Ltmp1:
0x2a: {  	[sflag:s10] =	ssyncadd.s32 $0xFFFF8000;
	(pc) =	sbr.rel @p0 .LBB2_1-.Ltmp1, $4  }
0x2b: {  	[hbm4b:s6+s2] =	stream.linear.scatter [tilespmem:s9], [sflag:$0x2], $0x8000, $0x38;
	[tilespmem:$0x10000] =	vst v63  }
0x2c: {  	_ =	swait.ge [sflag:s8], $0x8000  }
0x2d: {  	[sflag:s8] =	ssyncset.done $0x0  }
0x2e: {  	[sflag:s8] =	ssyncadd.s32 $0xFFFF8000  }
0x2f: {  	_ =	sfence.sel $0x180000  }
0x30: {  	[bflag:$0x0] =	sbarrier.arrive $0xFFFF  }
0x31: {  	p0 =	sne.s32 s0, $0x0;
	_ =	strace $0x9000004A  }
0x32: {  	s0 =	sadd.s32 @!p0 $0x100000, s1;
	[bflag:$0x2] =	sbarrier.arrive $0xFFFF  }
0x33: {  	[sflag:s0] =	ssyncadd.tile.s32 @!p0 $0x1;
	_ =	shalt  }
.Lfunc_end2:
_tile_overlayer_lowered:
.L_overlay_start_2:
0x34: {  	(tag) =	ssettag $0x2  }
0x35: {  	s0 =	rddreg [dreg:$0x0];
	s2 =	stileid.u32  }
0x36: {  	s1 =	rddreg [dreg:$0x1];
	p0 =	sne.s32 s2, $0x0  }
0x37: {  	s3 =	rddreg [dreg:$0x2];
	[bflag:$0x3] =	sbarrier.arrive $0xFFFF;
	s2 =	simm.s32 @!p0 $0x1C02  }
0x38: {  	[timem:s3], [sflag:s2] =	dma.local @!p0 [hbm:s0], s1  }
0x39: {  	s0 =	simm.s32 @!p0 $0x2  }
0x3a: {  	_ =	swait.ge @!p0 [sflag:s0], s1  }
0x3b: {  	s1 =	ssub.s32 @!p0 $0x0, s1;
	[sflag:s0] =	ssyncset.done @!p0 $0x0  }
0x3c: {  	[sflag:s0] =	ssyncadd.s32 @!p0 s1  }
0x3d: {  	[bflag:$0x3] =	sbarrier.arrive $0xFFFF  }
0x3e: {  	_ =	shalt  }

// kernel: sparse-core-data-format-call.cloned.1.call-start
scs
called_computation_lowered:
.L_overlay_start_0:
0x0: {  	s2 =	sld [smem:$0x3FD9]  }
0x1: {  	s3 =	sld [smem:$0x3FFE];
	_ =	sdelay $0x1  }
0x2: {  	s1 =	srdreg.scid  }
0x3: {  	s0 =	sand.u32 $0x1, s1  }
0x4: {  	s18 =	sshll.u32 s0, $0xA;
	s2 =	sadd.s32 s3, s2  }
0x5: {  	s2 =	sadd.s32 s2, s18  }
0x6: {  	[smem:$0x3FC6] =	sst s2  }
0x7: {  	_ = 	snop  }
0x8: {  	s2 =	sld [smem:$0x3FC9];
	(tm) =	ssettm $0x1  }
0x9: {  	s19 =	sld [smem:$0x3FFB];
	_ =	sdelay $0x3  }
0xa: {  	_ =	strace s19  }
0xb: {  	s3 =	sld [smem:$0x3FFC];
	_ =	sdelay $0x3  }
0xc: {  	_ =	strace s3  }
0xd: {  	s3 =	sld [smem:$0x3FFD];
	_ =	sdelay $0x3  }
0xe: {  	_ =	strace s3  }
0xf: {  	_ =	strace $0x8FFFFFFF  }
0x10: {  	s20 =	sld [smem:$0x3FDB];
	_ =	sdelay $0x1  }
0x11: {  	s4 =	simm.s32 $_scs_section_size  }
0x12: {  	s5 =	simm.s32 $_size__tile_overlayer_lowered;
	s6 =	simm.s32 $_tile_overlayer_lowered  }
0x13: {  	s23 =	simm.s32 $0x1BFF;
	s22 =	sshll.u32 s6, $0x1;
	s3 =	sadd.s32 s4, s20  }
0x14: {  	s7 =	simm.s32 $0x0;
	s21 =	sshll.u32 s5, $0x1;
	s5 =	sadd.s32 s22, s3  }
0x15: {  	[timem:s7], [sflag:s23] =	dma.local [hbm:s5], s21  }
0x16: {  	_ =	swait.ge [sflag:s23], s21  }
0x17: {  	s4 =	ssub.s32 $0x0, s21;
	[sflag:s23] =	ssyncset.done $0x0  }
0x18: {  	[sflag:s23] =	ssyncadd.s32 s4;
	_ =	sdelay $0x1  }
0x19: {  	s24 =	simm.s32 $0x1B8B  }
0x1a: {  	_ =	swait.ge [sflag:s24], $0x1  }
0x1b: {  	[sflag:s24] =	ssyncset.done $0x0  }
0x1c: {  	s26 =	simm.s32 $0x1B8E;
	s25 =	sld [smem:$0x3FFE];
	[sflag:s24] =	ssyncadd.s32 $0xFFFFFFFF  }
0x1d: {  	s27 =	simm.s32 $execute0_lowered;
	[smem:$0x3FD2] =	sst s26  }
0x1e: {  	s5 =	sshll.u32 s27, $0x1;
	_ =	strace $0x80000046;
	[dreg:$0x1] =	wrdreg $0xFFFFFFFF  }
0x1f: {  	s28 =	simm.s32 $_size_execute0_lowered;
	s3 =	sadd.s32 s3, s5;
	[dreg:$0x0] =	wrdreg $0x0  }
0x20: {  	s5 =	sshll.u32 s28, $0x1;
	[dreg:$0x2] =	wrdreg s3  }
0x21: {  	[dreg:$0x3] =	wrdreg s5  }
0x22: {  	[dreg:$0x4] =	wrdreg $0xC0  }
0x23: {  	_ =	task [dreg:s7], $0x5FFFF  }
0x24: {  	[dreg:$0x1] =	wrdreg $0xFFFFFFFF  }
0x25: {  	[dreg:$0x0] =	wrdreg $0x60  }
0x26: {  	[dreg:$0x2] =	wrdreg s2  }
0x27: {  	[dreg:$0x3] =	wrdreg s25  }
0x28: {  	[dreg:$0x4] =	wrdreg $0x9  }
0x29: {  	_ =	task.clear_ibuf [dreg:s7], $0x5FFFF;
	_ =	strace $0x90000046  }
0x2a: {  	s29 =	simm.s32 $0x9;
	_ =	strace $0x80000048  }
0x2b: {  	_ =	swait.ge [sflag:s29], $0x1  }
0x2c: {  	[sflag:s29] =	ssyncadd.s32 $0xFFFFFFFF  }
0x2d: {  	_ =	strace $0x90000048  }
0x2e: {  	_ =	sfence  }
0x2f: {  	s30 =	sld [smem:$0x0];
	_ =	sdelay $0x2  }
0x30: {  	s31 =	sshll.u32 s1, $0xD;
	s1 =	sshrl.u32 s1, $0x2  }
0x31: {  	s3 =	sand.u32 $0x4000, s31;
	s1 =	sadd.s32 s1, s30  }
0x32: {  	s0 =	sor.u32 s3, s0;
	s1 =	sshll.u32 s1, $0x11  }
0x33: {  	s0 =	sor.u32 s1, s0  }
0x34: {  	s0 =	sadd.s32 $0x8F2B, s0  }
0x35: {  	[sflag:s0] =	ssyncadd.remote.s32 $0x1  }
0x36: {  	_ =	sfence.sel $0xFFFF  }
0x37: {  	[dreg:$0x0] =	wrdreg $0xFFFFFFFF;
	(pc) =	sbr.abs _section_cstart, $3  }
0x38: {  	[dreg:$0x1] =	wrdreg $0xFFFFFFFF  }
0x39: {  	_ =	task.clear_ibuf [dreg:s7], $0x2FFFF;
	_ =	strace $0x9FFFFFFF  }
0x3a: {  	(tm) =	ssettm $0x7FFFFFFF  }
0x3b: {  	_ =	shalt  }
tec
execute0_lowered:
.L_overlay_start_1:
0x0: {  	(tag) =	ssettag $0x1  }
0x1: {  	s0 =	srdreg.scid  }
0x2: {  	s1 =	sshll.u32 s0, $0x4  }
0x3: {  	s2 =	rddreg [dreg:$0x0];
	s0 =	stileid.u32;
	s1 =	sand.u32 $0x10, s1  }
0x4: {  	s4 =	rddreg [dreg:$0x1];
	s7 =	simm.s32 $0x1;
	s1 =	sor.u32 s0, s1  }
0x5: {  	s8 =	simm.s32 $0x2;
	s9 =	simm.s32 $0x0;
	s3 =	sshll.u32 s1, $0x2  }
0x6: {  	s12 =	simm.s32 $0x0;
	s11 =	simm.s32 $0x0;
	s6 =	ssub.s32 $0x1300, s3  }
.Ltmp0:
0x7: {  	s4 =	sadd.s32 $0xA00, s4;
	s5 =	sand.u32 $0x7C, s6;
	(pc) =	sbr.rel .LBB1_1-.Ltmp0, $4  }
0x8: {  	s1 =	rddreg [dreg:$0x2];
	_ =	strace $0x80000047;
	p0 =	sne.s32 s5, $0x0  }
0x9: {  	s6 =	sshrl.u32 s6, $0x7;
	s5 =	simm.s32 $0x1;
	s7 =	simm.s32 @!p0 $0x0  }
0xa: {  	s10 =	smov.u32 s3;
	[sflag:s5] =	ssyncpa.u1 $0x0;
	s6 =	sadd.s32 s7, s6  }
0xb: {  	[sflag:s8] =	ssyncpa.u1 $0x0;
	s8 =	simm.s32 $0x0;
	s7 =	sadd.s32 $0x1, s6  }
.LBB1_9:
0xc: {  	s14 =	sadd.s32 $0x80, s10  }
0xd: {  	p1 =	sgt.s32 s14, $0x12FF  }
0xe: {  	s14 =	smov.u32 @p1 s3;
	p1 =	sne.s32 s11, s7  }
.Ltmp1:
0xf: {  	p0 =	slt.u32 s11, $0x2;
	(pc) =	sbr.rel @!p1 .LBB1_10-.Ltmp1, $4  }
0x10: {  	s13 =	simm.s32 @!p0 $0x2  }
0x11: {  	s15 =	sadd.s32 $0x1, s11;
	_ =	swait.ge @!p0 [sflag:s13], $0x4000  }
0x12: {  	s12 =	smov.u32 s10;
	s9 =	sadd.s32 $0x4000, s9;
	[sflag:s13] =	ssyncset.done @!p0 $0x0  }
0x13: {  	s11 =	smov.u32 s15;
	s10 =	smov.u32 s14;
	[sflag:s13] =	ssyncadd.s32 @!p0 $0xFFFFC000  }
.LBB1_1:
0x14: {  	p0 =	sge.u32 s11, s6  }
0x15: {  	s13 =	sxor.u32 @!p0 $0xFFFFFFFF, s11  }
0x16: {  	s31 =	sadd.s32 $0xFFFFFFFF, s11;
	s14 =	sshll.u32 @!p0 s10, $0x9;
	s13 =	sshll.u32 @!p0 s13, $0xE  }
0x17: {  	s15 =	simm.s32 @!p0 $0x0;
	s14 =	sadd.s32 @!p0 s2, s14;
	s13 =	sand.u32 @!p0 $0x4000, s13  }
0x18: {  	[tilespmem:s13], [sflag:$0x1] =	stream.linear.gather @!p0 [hbm4b:s14+s15], $0x4000, $0x38;
	[tilespmem:$0x10000] =	vst v63  }
0x19: {  	p0 =	sge.u32 s31, s6  }
.Ltmp2:
0x1a: {  	_ = 	snop;
	(pc) =	sbr.rel @p0 .LBB1_9-.Ltmp2, $1  }
0x1b: {  	_ =	sdelay $0x3  }
0x1c: {  	s14 =	sand.u32 $0x4000, s9  }
0x1d: {  	_ =	swait.ge [sflag:s5], $0x4000;
	s15 =	sshll.u32 s11, $0xE;
	s16 =	simm.s32 $0x0  }
0x1e: {  	s13 =	sor.u32 $0x40, s14;
	[sflag:s5] =	ssyncset.done $0x0;
	s15 =	sand.u32 $0x4000, s15  }
0x1f: {  	s14 =	sor.u32 $0x8040, s14;
	[sflag:s5] =	ssyncadd.s32 $0xFFFFC000;
	s15 =	sor.u32 $0x8000, s15  }
.LBB1_3:
0x20: {  	s17 =	smov.u32 s14;
	s18 =	smov.u32 s13;
	s19 =	simm.s32 $0x0  }
.LBB1_4:
0x21: {  	v0 =	vmov s17;
	v2 =	vld [tilespmem:s18+$0x30]  }
0x22: {  	v4 =	vld [tilespmem:s18+$0xFFFFFFD0]  }
0x23: {  	v6 =	vld [tilespmem:s18+$0xFFFFFFE0]  }
0x24: {  	v7 =	vld [tilespmem:s18+$0xFFFFFFF0]  }
0x25: {  	s20 =	simm.s32 $0x0;
	v1 =	vld [tilespmem:s18+$0x0]  }
0x26: {  	v3 =	vld [tilespmem:s18+$0x10];
	[tilespmem:v0+s20+$0x30 ss:$0x1] =	vst.idx.msk $0xffff, v2  }
0x27: {  	v5 =	vld [tilespmem:s18+$0x20];
	[tilespmem:v0+s20+$0xFFFFFFD0 ss:$0x1] =	vst.idx.msk $0xffff, v4  }
0x28: {  	s21 =	sadd.s32 $0x80, s18;
	v2 =	vld [tilespmem:s18+$0xFFFFFFC0];
	[tilespmem:v0+s20+$0xFFFFFFE0 ss:$0x1] =	vst.idx.msk $0xffff, v6  }
0x29: {  	s22 =	simm.s32 $0x800;
	s23 =	simm.s32 $0x1000;
	v4 =	vld [tilespmem:s21+$0x30];
	[tilespmem:v0+s20+$0xFFFFFFF0 ss:$0x1] =	vst.idx.msk $0xffff, v7  }
.LBB1_5:
0x2a: {  	p0 =	sne.s32 s23, $0x3800;
	v6 =	vld [tilespmem:s21+$0xFFFFFFD0];
	[tilespmem:v0+s20+$0x0 ss:$0x1] =	vst.idx.msk $0xffff, v1  }
0x2b: {  	v7 =	vld [tilespmem:s21+$0xFFFFFFE0];
	[tilespmem:v0+s20+$0x10 ss:$0x1] =	vst.idx.msk $0xffff, v3  }
0x2c: {  	v8 =	vld [tilespmem:s21+$0xFFFFFFF0];
	[tilespmem:v0+s20+$0x20 ss:$0x1] =	vst.idx.msk $0xffff, v5  }
.Ltmp3:
0x2d: {  	v1 =	vld [tilespmem:s21+$0x0];
	[tilespmem:v0+s20+$0xFFFFFFC0 ss:$0x1] =	vst.idx.msk $0xffff, v2;
	s20 =	sshra.s32 s22, $0x2;
	s22 =	smov.u32 s23;
	(pc) =	sbr.rel @p0 .LBB1_5-.Ltmp3, $4  }
0x2e: {  	v3 =	vld [tilespmem:s21+$0x10];
	[tilespmem:v0+s20+$0x30 ss:$0x1] =	vst.idx.msk $0xffff, v4  }
0x2f: {  	[tilespmem:v0+s20+$0xFFFFFFD0 ss:$0x1] =	vst.idx.msk $0xffff, v6;
	v5 =	vld [tilespmem:s21+$0x20]  }
0x30: {  	v2 =	vld [tilespmem:s21+$0xFFFFFFC0];
	[tilespmem:v0+s20+$0xFFFFFFE0 ss:$0x1] =	vst.idx.msk $0xffff, v7;
	s21 =	sadd.s32 $0x80, s21  }
0x31: {  	s23 =	sadd.s32 $0x800, s23;
	v4 =	vld [tilespmem:s21+$0x30];
	[tilespmem:v0+s20+$0xFFFFFFF0 ss:$0x1] =	vst.idx.msk $0xffff, v8  }
0x32: {  	_ =	sdelay $0x3  }
0x33: {  	v6 =	vld [tilespmem:s21+$0xFFFFFFD0];
	[tilespmem:v0+s20+$0x0 ss:$0x1] =	vst.idx.msk $0xffff, v1  }
0x34: {  	v58 =	vld [tilespmem:s21+$0xFFFFFFE0];
	[tilespmem:v0+s20+$0x10 ss:$0x1] =	vst.idx.msk $0xffff, v3  }
0x35: {  	v59 =	vld [tilespmem:s21+$0xFFFFFFF0];
	[tilespmem:v0+s20+$0x20 ss:$0x1] =	vst.idx.msk $0xffff, v5  }
0x36: {  	s22 =	sshra.s32 s22, $0x2;
	v60 =	vld [tilespmem:s21+$0x0];
	[tilespmem:v0+s20+$0xFFFFFFC0 ss:$0x1] =	vst.idx.msk $0xffff, v2  }
0x37: {  	v61 =	vld [tilespmem:s21+$0x10];
	[tilespmem:v0+s22+$0x30 ss:$0x1] =	vst.idx.msk $0xffff, v4  }
0x38: {  	v62 =	vld [tilespmem:s21+$0x20];
	s19 =	sadd.s32 $0x1, s19;
	[tilespmem:v0+s22+$0xFFFFFFD0 ss:$0x1] =	vst.idx.msk $0xffff, v6  }
0x39: {  	v63 =	vld [tilespmem:s21+$0xFFFFFFC0];
	p0 =	sne.s32 s19, $0x4;
	[tilespmem:v0+s22+$0xFFFFFFE0 ss:$0x1] =	vst.idx.msk $0xffff, v58  }
.Ltmp4:
0x3a: {  	[tilespmem:v0+s22+$0xFFFFFFF0 ss:$0x1] =	vst.idx.msk $0xffff, v59;
	(pc) =	sbr.rel @p0 .LBB1_4-.Ltmp4, $4  }
0x3b: {  	[tilespmem:v0+s22+$0x0 ss:$0x1] =	vst.idx.msk $0xffff, v60  }
0x3c: {  	[tilespmem:v0+s22+$0x10 ss:$0x1] =	vst.idx.msk $0xffff, v61  }
0x3d: {  	[tilespmem:v0+s22+$0x20 ss:$0x1] =	vst.idx.msk $0xffff, v62  }
0x3e: {  	s18 =	sadd.s32 $0x400, s18;
	s17 =	sadd.s32 $0x80, s17;
	[tilespmem:v0+s22+$0xFFFFFFC0 ss:$0x1] =	vst.idx.msk $0xffff, v63  }
0x3f: {  	s16 =	sadd.s32 $0x1, s16  }
0x40: {  	p0 =	sne.s32 s16, $0x4  }
.Ltmp5:
0x41: {  	_ = 	snop;
	(pc) =	sbr.rel @p0 .LBB1_3-.Ltmp5, $2  }
0x42: {  	_ =	sdelay $0x2  }
0x43: {  	s13 =	sadd.s32 $0x1000, s13;
	s14 =	sadd.s32 $0x1000, s14  }
.Ltmp6:
0x44: {  	(pc) =	sbr.rel .LBB1_9-.Ltmp6, $4  }
0x45: {  	_ = 	snop  }
0x46: {  	s12 =	sshll.u32 s12, $0x9  }
0x47: {  	s12 =	sadd.s32 s4, s12  }
0x48: {  	[hbm4b:s12+s8] =	stream.linear.scatter [tilespmem:s15], [sflag:$0x2], $0x4000, $0x38;
	[tilespmem:$0x10000] =	vst v63  }
.LBB1_10:
0x49: {  	_ =	sfence.sel $0x180000  }
0x4a: {  	s2 =	simm.s32 $0x1;
	[bflag:$0x0] =	sbarrier.arrive $0xFFFF  }
0x4b: {  	s31 =	simm.s32 $0x2;
	[sflag:s2] =	ssyncpa.u1 $0x1  }
0x4c: {  	[sflag:s31] =	ssyncpa.u1 $0x1  }
0x4d: {  	p0 =	sne.s32 s0, $0x0;
	_ =	strace $0x90000047  }
0x4e: {  	s0 =	sadd.s32 @!p0 $0x100000, s1;
	[bflag:$0x2] =	sbarrier.arrive $0xFFFF  }
0x4f: {  	[sflag:s0] =	ssyncadd.tile.s32 @!p0 $0x1;
	_ =	shalt  }
.Lfunc_end1:
_tile_overlayer_lowered:
.L_overlay_start_2:
0x50: {  	(tag) =	ssettag $0x2  }
0x51: {  	s0 =	rddreg [dreg:$0x0];
	s2 =	stileid.u32  }
0x52: {  	s1 =	rddreg [dreg:$0x1];
	p0 =	sne.s32 s2, $0x0  }
0x53: {  	s3 =	rddreg [dreg:$0x2];
	[bflag:$0x3] =	sbarrier.arrive $0xFFFF;
	s2 =	simm.s32 @!p0 $0x1C01  }
0x54: {  	[timem:s3], [sflag:s2] =	dma.local @!p0 [hbm:s0], s1  }
0x55: {  	s0 =	simm.s32 @!p0 $0x1  }
0x56: {  	_ =	swait.ge @!p0 [sflag:s0], s1  }
0x57: {  	s1 =	ssub.s32 @!p0 $0x0, s1;
	[sflag:s0] =	ssyncset.done @!p0 $0x0  }
0x58: {  	[sflag:s0] =	ssyncadd.s32 @!p0 s1  }
0x59: {  	[bflag:$0x3] =	sbarrier.arrive $0xFFFF  }
0x5a: {  	_ =	shalt  }

</sc_bundles>
